<compile_context>
chip_gen: v7x
topology: tpu7x:2x2x1
jax: 0.10.2.dev20260603
libtpu: 0.0.44.dev20260713+nightly
codegen_flags: <defaults>
</compile_context>

<pallas_src>
import functools

import jax
import jax.numpy as jnp
from jax import lax
from jax.experimental import pallas as pl
from jax.experimental.pallas import tpu as pltpu
from jax.experimental.pallas import tpu_sc as plsc

NC = 2
NS = 16
NW = NC * NS

S0 = 4096
S1 = 50
D = 128
CHUNK = S0 // NW
NBUF = 5
N_OUTER = S1 // NBUF


def _emb_body(idx_hbm, table_hbm, out_hbm, idx_v, *rest):
    rows = rest[0:NBUF]
    gsems = rest[NBUF:2 * NBUF]
    osems = rest[2 * NBUF:3 * NBUF]
    wid = lax.axis_index("s") * NC + lax.axis_index("c")
    pltpu.sync_copy(idx_hbm.at[:, pl.ds(wid * CHUNK, CHUNK)], idx_v)

    for b in range(NBUF):
        pltpu.async_copy(table_hbm.at[idx_v.at[b]], rows[b], gsems[b])

    col = pl.ds(wid * CHUNK, CHUNK)
    N_CHUNKS = S1

    def outer(i, carry):
        for b in range(NBUF):
            g = i * NBUF + b
            pltpu.make_async_copy(
                table_hbm.at[idx_v.at[g]], rows[b], gsems[b]).wait()
            pltpu.async_copy(rows[b], out_hbm.at[g, col], osems[b])

            p = g - 1
            pb = (b - 1) % NBUF
            cond = (i >= 1) if b == 0 else (i <= N_OUTER - 2)

            @pl.when(cond)
            def _():
                pltpu.make_async_copy(
                    rows[pb], out_hbm.at[p, col], osems[pb]).wait()
                pltpu.async_copy(
                    table_hbm.at[idx_v.at[p + NBUF]], rows[pb], gsems[pb])
        return carry

    lax.fori_loop(0, N_OUTER, outer, 0)

    for b in range(NBUF):
        g = N_CHUNKS - NBUF + b
        pltpu.make_async_copy(
            rows[b], out_hbm.at[g, col], osems[b]).wait()


_emb = functools.partial(
    pl.kernel,
    out_type=jax.ShapeDtypeStruct((S1, S0, D), jnp.float32),
    mesh=plsc.VectorSubcoreMesh(core_axis_name="c", subcore_axis_name="s"),
    compiler_params=pltpu.CompilerParams(use_tc_tiling_on_sc=True),
    scratch_types=(
        [pltpu.VMEM((S1, CHUNK), jnp.int32)]
        + [pltpu.VMEM((CHUNK, D), jnp.float32) for _ in range(NBUF)]
        + [pltpu.SemaphoreType.DMA for _ in range(2 * NBUF)]
    ),
)(_emb_body)


@jax.jit
def kernel(inputs, table):
    idx = inputs.astype(jnp.int32).T
    out_t = _emb(idx, table)
    return out_t.transpose(1, 0, 2)

# --- scband reference (transcript-rebuilt; emitter-appended) ---
"""Pipeline reference for scband-embedding-56238301773962 (READ-ONLY COPY).

The authoritative reference and input builder live on the scoring server;
editing this copy changes nothing except your own understanding.
"""

import jax, jax.numpy as jnp
import numpy as np

VOCAB = 100000
D_MODEL = 128
PAD_IDX = 0

def setup_inputs(seed: int = 0) -> dict:
    key = jax.random.key(seed)
    k1, k2 = jax.random.split(key)
    inputs = jax.random.randint(k1, (4096, 50), 0, VOCAB, dtype=jnp.int64)
    table = jax.random.normal(k2, (VOCAB, D_MODEL), dtype=jnp.float32)
    # nn.Embedding with padding_idx zeros that row
    table = table.at[PAD_IDX].set(0.0)
    return {"inputs": inputs, "table": table}

def reference(inputs, table):
    # embedding lookup: gather rows of the table by token id
    embedded = jnp.take(table, inputs, axis=0)
    return embedded

if __name__ == "__main__":
    import jax
    _d = setup_inputs()
    print(jax.jit(kernel)(*tuple(_d.values())))

</pallas_src>

<mosaic_0001>
#map = affine_map<(d0, d1) -> (0, 0)>
#map1 = affine_map<(d0, d1) -> (0, 0, 0)>
module attributes {stable_mosaic.version = 14 : i64} {
  func.func @_emb_body(%arg0: i32, %arg1: i32, %arg2: memref<50x4096xi32, #tpu.memory_space<hbm>>, %arg3: memref<100000x128xf32, #tpu.memory_space<hbm>>, %arg4: memref<50x4096x128xf32, #tpu.memory_space<hbm>>, %arg5: memref<50x128xi32, #tpu.memory_space<vmem>>, %arg6: memref<128x128xf32, #tpu.memory_space<vmem>>, %arg7: memref<128x128xf32, #tpu.memory_space<vmem>>, %arg8: memref<128x128xf32, #tpu.memory_space<vmem>>, %arg9: memref<128x128xf32, #tpu.memory_space<vmem>>, %arg10: memref<128x128xf32, #tpu.memory_space<vmem>>, %arg11: memref<!tpu.dma_semaphore, #tpu.memory_space<semaphore_mem>>, %arg12: memref<!tpu.dma_semaphore, #tpu.memory_space<semaphore_mem>>, %arg13: memref<!tpu.dma_semaphore, #tpu.memory_space<semaphore_mem>>, %arg14: memref<!tpu.dma_semaphore, #tpu.memory_space<semaphore_mem>>, %arg15: memref<!tpu.dma_semaphore, #tpu.memory_space<semaphore_mem>>, %arg16: memref<!tpu.dma_semaphore, #tpu.memory_space<semaphore_mem>>, %arg17: memref<!tpu.dma_semaphore, #tpu.memory_space<semaphore_mem>>, %arg18: memref<!tpu.dma_semaphore, #tpu.memory_space<semaphore_mem>>, %arg19: memref<!tpu.dma_semaphore, #tpu.memory_space<semaphore_mem>>, %arg20: memref<!tpu.dma_semaphore, #tpu.memory_space<semaphore_mem>>) attributes {dimension_semantics = [#tpu.dimension_semantics<core_parallel>, #tpu.dimension_semantics<subcore_parallel>], iteration_bounds = array<i64: 2, 16>, scalar_prefetch = 0 : i64, scratch_operands = 16 : i64, tpu.core_type = #tpu.core_type<sc_vector_subcore>, window_params = [{transform_indices = #map}, {transform_indices = #map}, {transform_indices = #map1}]} {
    %mul3A = arith.constant 2 : i32
    %mul3A_0 = arith.muli %arg1, %mul3A : i32
    %add3A = arith.addi %mul3A_0, %arg0 : i32
    %mul3A_1 = arith.constant 128 : i32
    %mul3A_2 = arith.muli %add3A, %mul3A_1 : i32
    "tpu.region"() ({
      %run_scoped3A = tpu.sem_alloc : memref<!tpu.dma_semaphore, #tpu.memory_space<semaphore_mem>>
      %dma_start3A_78 = arith.constant 0 : i32
      %dma_start3A_79 = tpu.memref_slice %arg2[%dma_start3A_78, %mul3A_2] : memref<50x4096xi32, #tpu.memory_space<hbm>> -> memref<50x128xi32, #tpu.memory_space<hbm>>
      %dma_start3A_80 = arith.constant 0 : i32
      %dma_start3A_81 = tpu.memref_slice %arg2[%dma_start3A_80, %mul3A_2] : memref<50x4096xi32, #tpu.memory_space<hbm>> -> memref<50x128xi32, #tpu.memory_space<hbm>>
      tpu.enqueue_dma source(%dma_start3A_81 : memref<50x128xi32, #tpu.memory_space<hbm>>) target(%arg5 : memref<50x128xi32, #tpu.memory_space<vmem>>) target_semaphore(%run_scoped3A : memref<!tpu.dma_semaphore, #tpu.memory_space<semaphore_mem>>)
      %dma_wait3A_82 = arith.constant 0 : i32
      %dma_wait3A_83 = tpu.memref_slice %arg2[%dma_wait3A_82, %mul3A_2] : memref<50x4096xi32, #tpu.memory_space<hbm>> -> memref<50x128xi32, #tpu.memory_space<hbm>>
      %dma_wait3A_84 = arith.constant 0 : i32
      %dma_wait3A_85 = tpu.memref_slice %arg2[%dma_wait3A_84, %mul3A_2] : memref<50x4096xi32, #tpu.memory_space<hbm>> -> memref<50x128xi32, #tpu.memory_space<hbm>>
      tpu.wait_dma2 semaphore(%run_scoped3A : memref<!tpu.dma_semaphore, #tpu.memory_space<semaphore_mem>>) src(%dma_wait3A_85 : memref<50x128xi32, #tpu.memory_space<hbm>>) dst(%arg5 : memref<50x128xi32, #tpu.memory_space<vmem>>)
      tpu.yield
    }) : () -> ()
    %dma_start3A = arith.constant 0 : i32
    %dma_start3A_3 = arith.constant 0 : i32
    %dma_start3A_4 = tpu.memref_slice %arg5[%dma_start3A, %dma_start3A_3] : memref<50x128xi32, #tpu.memory_space<vmem>> -> memref<1x128xi32, #tpu.memory_space<vmem>>
    %dma_start3A_5 = tpu.memref_squeeze %dma_start3A_4 : memref<1x128xi32, #tpu.memory_space<vmem>> -> memref<128xi32, #tpu.memory_space<vmem>>
    %dma_start3A_6 = arith.constant 0 : i32
    %dma_start3A_7 = arith.constant 0 : i32
    %dma_start3A_8 = tpu.memref_slice %arg3[%dma_start3A_6, %dma_start3A_7] : memref<100000x128xf32, #tpu.memory_space<hbm>> -> memref<100000x128xf32, #tpu.memory_space<hbm>>
    tpu.enqueue_indirect_dma source(%dma_start3A_8 : memref<100000x128xf32, #tpu.memory_space<hbm>>) target(%arg6 : memref<128x128xf32, #tpu.memory_space<vmem>>) offsets(%dma_start3A_5 : memref<128xi32, #tpu.memory_space<vmem>>) semaphore(%arg11 : memref<!tpu.dma_semaphore, #tpu.memory_space<semaphore_mem>>)
    %dma_start3A_9 = arith.constant 1 : i32
    %dma_start3A_10 = arith.constant 0 : i32
    %dma_start3A_11 = tpu.memref_slice %arg5[%dma_start3A_9, %dma_start3A_10] : memref<50x128xi32, #tpu.memory_space<vmem>> -> memref<1x128xi32, #tpu.memory_space<vmem>>
    %dma_start3A_12 = tpu.memref_squeeze %dma_start3A_11 : memref<1x128xi32, #tpu.memory_space<vmem>> -> memref<128xi32, #tpu.memory_space<vmem>>
    %dma_start3A_13 = arith.constant 0 : i32
    %dma_start3A_14 = arith.constant 0 : i32
    %dma_start3A_15 = tpu.memref_slice %arg3[%dma_start3A_13, %dma_start3A_14] : memref<100000x128xf32, #tpu.memory_space<hbm>> -> memref<100000x128xf32, #tpu.memory_space<hbm>>
    tpu.enqueue_indirect_dma source(%dma_start3A_15 : memref<100000x128xf32, #tpu.memory_space<hbm>>) target(%arg7 : memref<128x128xf32, #tpu.memory_space<vmem>>) offsets(%dma_start3A_12 : memref<128xi32, #tpu.memory_space<vmem>>) semaphore(%arg12 : memref<!tpu.dma_semaphore, #tpu.memory_space<semaphore_mem>>)
    %dma_start3A_16 = arith.constant 2 : i32
    %dma_start3A_17 = arith.constant 0 : i32
    %dma_start3A_18 = tpu.memref_slice %arg5[%dma_start3A_16, %dma_start3A_17] : memref<50x128xi32, #tpu.memory_space<vmem>> -> memref<1x128xi32, #tpu.memory_space<vmem>>
    %dma_start3A_19 = tpu.memref_squeeze %dma_start3A_18 : memref<1x128xi32, #tpu.memory_space<vmem>> -> memref<128xi32, #tpu.memory_space<vmem>>
    %dma_start3A_20 = arith.constant 0 : i32
    %dma_start3A_21 = arith.constant 0 : i32
    %dma_start3A_22 = tpu.memref_slice %arg3[%dma_start3A_20, %dma_start3A_21] : memref<100000x128xf32, #tpu.memory_space<hbm>> -> memref<100000x128xf32, #tpu.memory_space<hbm>>
    tpu.enqueue_indirect_dma source(%dma_start3A_22 : memref<100000x128xf32, #tpu.memory_space<hbm>>) target(%arg8 : memref<128x128xf32, #tpu.memory_space<vmem>>) offsets(%dma_start3A_19 : memref<128xi32, #tpu.memory_space<vmem>>) semaphore(%arg13 : memref<!tpu.dma_semaphore, #tpu.memory_space<semaphore_mem>>)
    %dma_start3A_23 = arith.constant 3 : i32
    %dma_start3A_24 = arith.constant 0 : i32
    %dma_start3A_25 = tpu.memref_slice %arg5[%dma_start3A_23, %dma_start3A_24] : memref<50x128xi32, #tpu.memory_space<vmem>> -> memref<1x128xi32, #tpu.memory_space<vmem>>
    %dma_start3A_26 = tpu.memref_squeeze %dma_start3A_25 : memref<1x128xi32, #tpu.memory_space<vmem>> -> memref<128xi32, #tpu.memory_space<vmem>>
    %dma_start3A_27 = arith.constant 0 : i32
    %dma_start3A_28 = arith.constant 0 : i32
    %dma_start3A_29 = tpu.memref_slice %arg3[%dma_start3A_27, %dma_start3A_28] : memref<100000x128xf32, #tpu.memory_space<hbm>> -> memref<100000x128xf32, #tpu.memory_space<hbm>>
    tpu.enqueue_indirect_dma source(%dma_start3A_29 : memref<100000x128xf32, #tpu.memory_space<hbm>>) target(%arg9 : memref<128x128xf32, #tpu.memory_space<vmem>>) offsets(%dma_start3A_26 : memref<128xi32, #tpu.memory_space<vmem>>) semaphore(%arg14 : memref<!tpu.dma_semaphore, #tpu.memory_space<semaphore_mem>>)
    %dma_start3A_30 = arith.constant 4 : i32
    %dma_start3A_31 = arith.constant 0 : i32
    %dma_start3A_32 = tpu.memref_slice %arg5[%dma_start3A_30, %dma_start3A_31] : memref<50x128xi32, #tpu.memory_space<vmem>> -> memref<1x128xi32, #tpu.memory_space<vmem>>
    %dma_start3A_33 = tpu.memref_squeeze %dma_start3A_32 : memref<1x128xi32, #tpu.memory_space<vmem>> -> memref<128xi32, #tpu.memory_space<vmem>>
    %dma_start3A_34 = arith.constant 0 : i32
    %dma_start3A_35 = arith.constant 0 : i32
    %dma_start3A_36 = tpu.memref_slice %arg3[%dma_start3A_34, %dma_start3A_35] : memref<100000x128xf32, #tpu.memory_space<hbm>> -> memref<100000x128xf32, #tpu.memory_space<hbm>>
    tpu.enqueue_indirect_dma source(%dma_start3A_36 : memref<100000x128xf32, #tpu.memory_space<hbm>>) target(%arg10 : memref<128x128xf32, #tpu.memory_space<vmem>>) offsets(%dma_start3A_33 : memref<128xi32, #tpu.memory_space<vmem>>) semaphore(%arg15 : memref<!tpu.dma_semaphore, #tpu.memory_space<semaphore_mem>>)
    %mul3A_37 = arith.constant 128 : i32
    %mul3A_38 = arith.muli %add3A, %mul3A_37 : i32
    %scan3A = arith.constant 0 : i32
    %scan3A_39 = arith.constant 0 : i32
    %scan3A_40 = arith.constant 10 : i32
    %scan3A_41 = arith.addi %scan3A_39, %scan3A_40 : i32
    %scan3A_42 = arith.constant 1 : i32
    scf.for %scan3A_78 = %scan3A_39 to %scan3A_41 step %scan3A_42  : i32 {
      %mul3A_79 = arith.constant 5 : i32
      %mul3A_80 = arith.muli %scan3A_78, %mul3A_79 : i32
      %add3A_81 = arith.constant 0 : i32
      %add3A_82 = arith.addi %mul3A_80, %add3A_81 : i32
      %dma_wait3A_83 = arith.constant 0 : i32
      %dma_wait3A_84 = tpu.memref_slice %arg5[%add3A_82, %dma_wait3A_83] : memref<50x128xi32, #tpu.memory_space<vmem>> -> memref<1x128xi32, #tpu.memory_space<vmem>>
      %dma_wait3A_85 = tpu.memref_squeeze %dma_wait3A_84 : memref<1x128xi32, #tpu.memory_space<vmem>> -> memref<128xi32, #tpu.memory_space<vmem>>
      %dma_wait3A_86 = arith.constant 0 : i32
      %dma_wait3A_87 = arith.constant 0 : i32
      %dma_wait3A_88 = tpu.memref_slice %arg3[%dma_wait3A_86, %dma_wait3A_87] : memref<100000x128xf32, #tpu.memory_space<hbm>> -> memref<100000x128xf32, #tpu.memory_space<hbm>>
      tpu.wait_indirect_dma semaphore(%arg11 : memref<!tpu.dma_semaphore, #tpu.memory_space<semaphore_mem>>) src(%dma_wait3A_88 : memref<100000x128xf32, #tpu.memory_space<hbm>>) dst(%arg6 : memref<128x128xf32, #tpu.memory_space<vmem>>)
      %dma_start3A_89 = arith.constant 0 : i32
      %dma_start3A_90 = tpu.memref_slice %arg4[%add3A_82, %mul3A_38, %dma_start3A_89] : memref<50x4096x128xf32, #tpu.memory_space<hbm>> -> memref<1x128x128xf32, #tpu.memory_space<hbm>>
      %dma_start3A_91 = tpu.memref_squeeze %dma_start3A_90 : memref<1x128x128xf32, #tpu.memory_space<hbm>> -> memref<128x128xf32, #tpu.memory_space<hbm>>
      %dma_start3A_92 = arith.constant 0 : i32
      %dma_start3A_93 = tpu.memref_slice %arg4[%add3A_82, %mul3A_38, %dma_start3A_92] : memref<50x4096x128xf32, #tpu.memory_space<hbm>> -> memref<1x128x128xf32, #tpu.memory_space<hbm>>
      %dma_start3A_94 = tpu.memref_squeeze %dma_start3A_93 : memref<1x128x128xf32, #tpu.memory_space<hbm>> -> memref<128x128xf32, #tpu.memory_space<hbm>>
      tpu.enqueue_dma source(%arg6 : memref<128x128xf32, #tpu.memory_space<vmem>>) target(%dma_start3A_94 : memref<128x128xf32, #tpu.memory_space<hbm>>) target_semaphore(%arg16 : memref<!tpu.dma_semaphore, #tpu.memory_space<semaphore_mem>>)
      %sub3A = arith.constant 1 : i32
      %sub3A_95 = arith.subi %add3A_82, %sub3A : i32
      %ge3A = arith.constant 1 : i32
      %ge3A_96 = arith.cmpi sge, %scan3A_78, %ge3A : i32
      %convert_element_type3A = arith.extui %ge3A_96 : i1 to i32
      %cond3A = arith.constant 0 : i32
      %cond3A_97 = arith.cmpi ne, %convert_element_type3A, %cond3A : i32
      scf.if %cond3A_97 {
        %dma_wait3A_189 = arith.constant 0 : i32
        %dma_wait3A_190 = tpu.memref_slice %arg4[%sub3A_95, %mul3A_38, %dma_wait3A_189] : memref<50x4096x128xf32, #tpu.memory_space<hbm>> -> memref<1x128x128xf32, #tpu.memory_space<hbm>>
        %dma_wait3A_191 = tpu.memref_squeeze %dma_wait3A_190 : memref<1x128x128xf32, #tpu.memory_space<hbm>> -> memref<128x128xf32, #tpu.memory_space<hbm>>
        %dma_wait3A_192 = arith.constant 0 : i32
        %dma_wait3A_193 = tpu.memref_slice %arg4[%sub3A_95, %mul3A_38, %dma_wait3A_192] : memref<50x4096x128xf32, #tpu.memory_space<hbm>> -> memref<1x128x128xf32, #tpu.memory_space<hbm>>
        %dma_wait3A_194 = tpu.memref_squeeze %dma_wait3A_193 : memref<1x128x128xf32, #tpu.memory_space<hbm>> -> memref<128x128xf32, #tpu.memory_space<hbm>>
        tpu.wait_dma2 semaphore(%arg20 : memref<!tpu.dma_semaphore, #tpu.memory_space<semaphore_mem>>) src(%arg10 : memref<128x128xf32, #tpu.memory_space<vmem>>) dst(%dma_wait3A_194 : memref<128x128xf32, #tpu.memory_space<hbm>>)
        %add3A_195 = arith.constant 5 : i32
        %add3A_196 = arith.addi %sub3A_95, %add3A_195 : i32
        %dma_start3A_197 = arith.constant 0 : i32
        %dma_start3A_198 = tpu.memref_slice %arg5[%add3A_196, %dma_start3A_197] : memref<50x128xi32, #tpu.memory_space<vmem>> -> memref<1x128xi32, #tpu.memory_space<vmem>>
        %dma_start3A_199 = tpu.memref_squeeze %dma_start3A_198 : memref<1x128xi32, #tpu.memory_space<vmem>> -> memref<128xi32, #tpu.memory_space<vmem>>
        %dma_start3A_200 = arith.constant 0 : i32
        %dma_start3A_201 = arith.constant 0 : i32
        %dma_start3A_202 = tpu.memref_slice %arg3[%dma_start3A_200, %dma_start3A_201] : memref<100000x128xf32, #tpu.memory_space<hbm>> -> memref<100000x128xf32, #tpu.memory_space<hbm>>
        tpu.enqueue_indirect_dma source(%dma_start3A_202 : memref<100000x128xf32, #tpu.memory_space<hbm>>) target(%arg10 : memref<128x128xf32, #tpu.memory_space<vmem>>) offsets(%dma_start3A_199 : memref<128xi32, #tpu.memory_space<vmem>>) semaphore(%arg15 : memref<!tpu.dma_semaphore, #tpu.memory_space<semaphore_mem>>)
      } else {
      }
      %mul3A_98 = arith.constant 5 : i32
      %mul3A_99 = arith.muli %scan3A_78, %mul3A_98 : i32
      %add3A_100 = arith.constant 1 : i32
      %add3A_101 = arith.addi %mul3A_99, %add3A_100 : i32
      %dma_wait3A_102 = arith.constant 0 : i32
      %dma_wait3A_103 = tpu.memref_slice %arg5[%add3A_101, %dma_wait3A_102] : memref<50x128xi32, #tpu.memory_space<vmem>> -> memref<1x128xi32, #tpu.memory_space<vmem>>
      %dma_wait3A_104 = tpu.memref_squeeze %dma_wait3A_103 : memref<1x128xi32, #tpu.memory_space<vmem>> -> memref<128xi32, #tpu.memory_space<vmem>>
      %dma_wait3A_105 = arith.constant 0 : i32
      %dma_wait3A_106 = arith.constant 0 : i32
      %dma_wait3A_107 = tpu.memref_slice %arg3[%dma_wait3A_105, %dma_wait3A_106] : memref<100000x128xf32, #tpu.memory_space<hbm>> -> memref<100000x128xf32, #tpu.memory_space<hbm>>
      tpu.wait_indirect_dma semaphore(%arg12 : memref<!tpu.dma_semaphore, #tpu.memory_space<semaphore_mem>>) src(%dma_wait3A_107 : memref<100000x128xf32, #tpu.memory_space<hbm>>) dst(%arg7 : memref<128x128xf32, #tpu.memory_space<vmem>>)
      %dma_start3A_108 = arith.constant 0 : i32
      %dma_start3A_109 = tpu.memref_slice %arg4[%add3A_101, %mul3A_38, %dma_start3A_108] : memref<50x4096x128xf32, #tpu.memory_space<hbm>> -> memref<1x128x128xf32, #tpu.memory_space<hbm>>
      %dma_start3A_110 = tpu.memref_squeeze %dma_start3A_109 : memref<1x128x128xf32, #tpu.memory_space<hbm>> -> memref<128x128xf32, #tpu.memory_space<hbm>>
      %dma_start3A_111 = arith.constant 0 : i32
      %dma_start3A_112 = tpu.memref_slice %arg4[%add3A_101, %mul3A_38, %dma_start3A_111] : memref<50x4096x128xf32, #tpu.memory_space<hbm>> -> memref<1x128x128xf32, #tpu.memory_space<hbm>>
      %dma_start3A_113 = tpu.memref_squeeze %dma_start3A_112 : memref<1x128x128xf32, #tpu.memory_space<hbm>> -> memref<128x128xf32, #tpu.memory_space<hbm>>
      tpu.enqueue_dma source(%arg7 : memref<128x128xf32, #tpu.memory_space<vmem>>) target(%dma_start3A_113 : memref<128x128xf32, #tpu.memory_space<hbm>>) target_semaphore(%arg17 : memref<!tpu.dma_semaphore, #tpu.memory_space<semaphore_mem>>)
      %sub3A_114 = arith.constant 1 : i32
      %sub3A_115 = arith.subi %add3A_101, %sub3A_114 : i32
      %le3A = arith.constant 8 : i32
      %le3A_116 = arith.cmpi sle, %scan3A_78, %le3A : i32
      %convert_element_type3A_117 = arith.extui %le3A_116 : i1 to i32
      %cond3A_118 = arith.constant 0 : i32
      %cond3A_119 = arith.cmpi ne, %convert_element_type3A_117, %cond3A_118 : i32
      scf.if %cond3A_119 {
        %dma_wait3A_189 = arith.constant 0 : i32
        %dma_wait3A_190 = tpu.memref_slice %arg4[%sub3A_115, %mul3A_38, %dma_wait3A_189] : memref<50x4096x128xf32, #tpu.memory_space<hbm>> -> memref<1x128x128xf32, #tpu.memory_space<hbm>>
        %dma_wait3A_191 = tpu.memref_squeeze %dma_wait3A_190 : memref<1x128x128xf32, #tpu.memory_space<hbm>> -> memref<128x128xf32, #tpu.memory_space<hbm>>
        %dma_wait3A_192 = arith.constant 0 : i32
        %dma_wait3A_193 = tpu.memref_slice %arg4[%sub3A_115, %mul3A_38, %dma_wait3A_192] : memref<50x4096x128xf32, #tpu.memory_space<hbm>> -> memref<1x128x128xf32, #tpu.memory_space<hbm>>
        %dma_wait3A_194 = tpu.memref_squeeze %dma_wait3A_193 : memref<1x128x128xf32, #tpu.memory_space<hbm>> -> memref<128x128xf32, #tpu.memory_space<hbm>>
        tpu.wait_dma2 semaphore(%arg16 : memref<!tpu.dma_semaphore, #tpu.memory_space<semaphore_mem>>) src(%arg6 : memref<128x128xf32, #tpu.memory_space<vmem>>) dst(%dma_wait3A_194 : memref<128x128xf32, #tpu.memory_space<hbm>>)
        %add3A_195 = arith.constant 5 : i32
        %add3A_196 = arith.addi %sub3A_115, %add3A_195 : i32
        %dma_start3A_197 = arith.constant 0 : i32
        %dma_start3A_198 = tpu.memref_slice %arg5[%add3A_196, %dma_start3A_197] : memref<50x128xi32, #tpu.memory_space<vmem>> -> memref<1x128xi32, #tpu.memory_space<vmem>>
        %dma_start3A_199 = tpu.memref_squeeze %dma_start3A_198 : memref<1x128xi32, #tpu.memory_space<vmem>> -> memref<128xi32, #tpu.memory_space<vmem>>
        %dma_start3A_200 = arith.constant 0 : i32
        %dma_start3A_201 = arith.constant 0 : i32
        %dma_start3A_202 = tpu.memref_slice %arg3[%dma_start3A_200, %dma_start3A_201] : memref<100000x128xf32, #tpu.memory_space<hbm>> -> memref<100000x128xf32, #tpu.memory_space<hbm>>
        tpu.enqueue_indirect_dma source(%dma_start3A_202 : memref<100000x128xf32, #tpu.memory_space<hbm>>) target(%arg6 : memref<128x128xf32, #tpu.memory_space<vmem>>) offsets(%dma_start3A_199 : memref<128xi32, #tpu.memory_space<vmem>>) semaphore(%arg11 : memref<!tpu.dma_semaphore, #tpu.memory_space<semaphore_mem>>)
      } else {
      }
      %mul3A_120 = arith.constant 5 : i32
      %mul3A_121 = arith.muli %scan3A_78, %mul3A_120 : i32
      %add3A_122 = arith.constant 2 : i32
      %add3A_123 = arith.addi %mul3A_121, %add3A_122 : i32
      %dma_wait3A_124 = arith.constant 0 : i32
      %dma_wait3A_125 = tpu.memref_slice %arg5[%add3A_123, %dma_wait3A_124] : memref<50x128xi32, #tpu.memory_space<vmem>> -> memref<1x128xi32, #tpu.memory_space<vmem>>
      %dma_wait3A_126 = tpu.memref_squeeze %dma_wait3A_125 : memref<1x128xi32, #tpu.memory_space<vmem>> -> memref<128xi32, #tpu.memory_space<vmem>>
      %dma_wait3A_127 = arith.constant 0 : i32
      %dma_wait3A_128 = arith.constant 0 : i32
      %dma_wait3A_129 = tpu.memref_slice %arg3[%dma_wait3A_127, %dma_wait3A_128] : memref<100000x128xf32, #tpu.memory_space<hbm>> -> memref<100000x128xf32, #tpu.memory_space<hbm>>
      tpu.wait_indirect_dma semaphore(%arg13 : memref<!tpu.dma_semaphore, #tpu.memory_space<semaphore_mem>>) src(%dma_wait3A_129 : memref<100000x128xf32, #tpu.memory_space<hbm>>) dst(%arg8 : memref<128x128xf32, #tpu.memory_space<vmem>>)
      %dma_start3A_130 = arith.constant 0 : i32
      %dma_start3A_131 = tpu.memref_slice %arg4[%add3A_123, %mul3A_38, %dma_start3A_130] : memref<50x4096x128xf32, #tpu.memory_space<hbm>> -> memref<1x128x128xf32, #tpu.memory_space<hbm>>
      %dma_start3A_132 = tpu.memref_squeeze %dma_start3A_131 : memref<1x128x128xf32, #tpu.memory_space<hbm>> -> memref<128x128xf32, #tpu.memory_space<hbm>>
      %dma_start3A_133 = arith.constant 0 : i32
      %dma_start3A_134 = tpu.memref_slice %arg4[%add3A_123, %mul3A_38, %dma_start3A_133] : memref<50x4096x128xf32, #tpu.memory_space<hbm>> -> memref<1x128x128xf32, #tpu.memory_space<hbm>>
      %dma_start3A_135 = tpu.memref_squeeze %dma_start3A_134 : memref<1x128x128xf32, #tpu.memory_space<hbm>> -> memref<128x128xf32, #tpu.memory_space<hbm>>
      tpu.enqueue_dma source(%arg8 : memref<128x128xf32, #tpu.memory_space<vmem>>) target(%dma_start3A_135 : memref<128x128xf32, #tpu.memory_space<hbm>>) target_semaphore(%arg18 : memref<!tpu.dma_semaphore, #tpu.memory_space<semaphore_mem>>)
      %sub3A_136 = arith.constant 1 : i32
      %sub3A_137 = arith.subi %add3A_123, %sub3A_136 : i32
      %le3A_138 = arith.constant 8 : i32
      %le3A_139 = arith.cmpi sle, %scan3A_78, %le3A_138 : i32
      %convert_element_type3A_140 = arith.extui %le3A_139 : i1 to i32
      %cond3A_141 = arith.constant 0 : i32
      %cond3A_142 = arith.cmpi ne, %convert_element_type3A_140, %cond3A_141 : i32
      scf.if %cond3A_142 {
        %dma_wait3A_189 = arith.constant 0 : i32
        %dma_wait3A_190 = tpu.memref_slice %arg4[%sub3A_137, %mul3A_38, %dma_wait3A_189] : memref<50x4096x128xf32, #tpu.memory_space<hbm>> -> memref<1x128x128xf32, #tpu.memory_space<hbm>>
        %dma_wait3A_191 = tpu.memref_squeeze %dma_wait3A_190 : memref<1x128x128xf32, #tpu.memory_space<hbm>> -> memref<128x128xf32, #tpu.memory_space<hbm>>
        %dma_wait3A_192 = arith.constant 0 : i32
        %dma_wait3A_193 = tpu.memref_slice %arg4[%sub3A_137, %mul3A_38, %dma_wait3A_192] : memref<50x4096x128xf32, #tpu.memory_space<hbm>> -> memref<1x128x128xf32, #tpu.memory_space<hbm>>
        %dma_wait3A_194 = tpu.memref_squeeze %dma_wait3A_193 : memref<1x128x128xf32, #tpu.memory_space<hbm>> -> memref<128x128xf32, #tpu.memory_space<hbm>>
        tpu.wait_dma2 semaphore(%arg17 : memref<!tpu.dma_semaphore, #tpu.memory_space<semaphore_mem>>) src(%arg7 : memref<128x128xf32, #tpu.memory_space<vmem>>) dst(%dma_wait3A_194 : memref<128x128xf32, #tpu.memory_space<hbm>>)
        %add3A_195 = arith.constant 5 : i32
        %add3A_196 = arith.addi %sub3A_137, %add3A_195 : i32
        %dma_start3A_197 = arith.constant 0 : i32
        %dma_start3A_198 = tpu.memref_slice %arg5[%add3A_196, %dma_start3A_197] : memref<50x128xi32, #tpu.memory_space<vmem>> -> memref<1x128xi32, #tpu.memory_space<vmem>>
        %dma_start3A_199 = tpu.memref_squeeze %dma_start3A_198 : memref<1x128xi32, #tpu.memory_space<vmem>> -> memref<128xi32, #tpu.memory_space<vmem>>
        %dma_start3A_200 = arith.constant 0 : i32
        %dma_start3A_201 = arith.constant 0 : i32
        %dma_start3A_202 = tpu.memref_slice %arg3[%dma_start3A_200, %dma_start3A_201] : memref<100000x128xf32, #tpu.memory_space<hbm>> -> memref<100000x128xf32, #tpu.memory_space<hbm>>
        tpu.enqueue_indirect_dma source(%dma_start3A_202 : memref<100000x128xf32, #tpu.memory_space<hbm>>) target(%arg7 : memref<128x128xf32, #tpu.memory_space<vmem>>) offsets(%dma_start3A_199 : memref<128xi32, #tpu.memory_space<vmem>>) semaphore(%arg12 : memref<!tpu.dma_semaphore, #tpu.memory_space<semaphore_mem>>)
      } else {
      }
      %mul3A_143 = arith.constant 5 : i32
      %mul3A_144 = arith.muli %scan3A_78, %mul3A_143 : i32
      %add3A_145 = arith.constant 3 : i32
      %add3A_146 = arith.addi %mul3A_144, %add3A_145 : i32
      %dma_wait3A_147 = arith.constant 0 : i32
      %dma_wait3A_148 = tpu.memref_slice %arg5[%add3A_146, %dma_wait3A_147] : memref<50x128xi32, #tpu.memory_space<vmem>> -> memref<1x128xi32, #tpu.memory_space<vmem>>
      %dma_wait3A_149 = tpu.memref_squeeze %dma_wait3A_148 : memref<1x128xi32, #tpu.memory_space<vmem>> -> memref<128xi32, #tpu.memory_space<vmem>>
      %dma_wait3A_150 = arith.constant 0 : i32
      %dma_wait3A_151 = arith.constant 0 : i32
      %dma_wait3A_152 = tpu.memref_slice %arg3[%dma_wait3A_150, %dma_wait3A_151] : memref<100000x128xf32, #tpu.memory_space<hbm>> -> memref<100000x128xf32, #tpu.memory_space<hbm>>
      tpu.wait_indirect_dma semaphore(%arg14 : memref<!tpu.dma_semaphore, #tpu.memory_space<semaphore_mem>>) src(%dma_wait3A_152 : memref<100000x128xf32, #tpu.memory_space<hbm>>) dst(%arg9 : memref<128x128xf32, #tpu.memory_space<vmem>>)
      %dma_start3A_153 = arith.constant 0 : i32
      %dma_start3A_154 = tpu.memref_slice %arg4[%add3A_146, %mul3A_38, %dma_start3A_153] : memref<50x4096x128xf32, #tpu.memory_space<hbm>> -> memref<1x128x128xf32, #tpu.memory_space<hbm>>
      %dma_start3A_155 = tpu.memref_squeeze %dma_start3A_154 : memref<1x128x128xf32, #tpu.memory_space<hbm>> -> memref<128x128xf32, #tpu.memory_space<hbm>>
      %dma_start3A_156 = arith.constant 0 : i32
      %dma_start3A_157 = tpu.memref_slice %arg4[%add3A_146, %mul3A_38, %dma_start3A_156] : memref<50x4096x128xf32, #tpu.memory_space<hbm>> -> memref<1x128x128xf32, #tpu.memory_space<hbm>>
      %dma_start3A_158 = tpu.memref_squeeze %dma_start3A_157 : memref<1x128x128xf32, #tpu.memory_space<hbm>> -> memref<128x128xf32, #tpu.memory_space<hbm>>
      tpu.enqueue_dma source(%arg9 : memref<128x128xf32, #tpu.memory_space<vmem>>) target(%dma_start3A_158 : memref<128x128xf32, #tpu.memory_space<hbm>>) target_semaphore(%arg19 : memref<!tpu.dma_semaphore, #tpu.memory_space<semaphore_mem>>)
      %sub3A_159 = arith.constant 1 : i32
      %sub3A_160 = arith.subi %add3A_146, %sub3A_159 : i32
      %le3A_161 = arith.constant 8 : i32
      %le3A_162 = arith.cmpi sle, %scan3A_78, %le3A_161 : i32
      %convert_element_type3A_163 = arith.extui %le3A_162 : i1 to i32
      %cond3A_164 = arith.constant 0 : i32
      %cond3A_165 = arith.cmpi ne, %convert_element_type3A_163, %cond3A_164 : i32
      scf.if %cond3A_165 {
        %dma_wait3A_189 = arith.constant 0 : i32
        %dma_wait3A_190 = tpu.memref_slice %arg4[%sub3A_160, %mul3A_38, %dma_wait3A_189] : memref<50x4096x128xf32, #tpu.memory_space<hbm>> -> memref<1x128x128xf32, #tpu.memory_space<hbm>>
        %dma_wait3A_191 = tpu.memref_squeeze %dma_wait3A_190 : memref<1x128x128xf32, #tpu.memory_space<hbm>> -> memref<128x128xf32, #tpu.memory_space<hbm>>
        %dma_wait3A_192 = arith.constant 0 : i32
        %dma_wait3A_193 = tpu.memref_slice %arg4[%sub3A_160, %mul3A_38, %dma_wait3A_192] : memref<50x4096x128xf32, #tpu.memory_space<hbm>> -> memref<1x128x128xf32, #tpu.memory_space<hbm>>
        %dma_wait3A_194 = tpu.memref_squeeze %dma_wait3A_193 : memref<1x128x128xf32, #tpu.memory_space<hbm>> -> memref<128x128xf32, #tpu.memory_space<hbm>>
        tpu.wait_dma2 semaphore(%arg18 : memref<!tpu.dma_semaphore, #tpu.memory_space<semaphore_mem>>) src(%arg8 : memref<128x128xf32, #tpu.memory_space<vmem>>) dst(%dma_wait3A_194 : memref<128x128xf32, #tpu.memory_space<hbm>>)
        %add3A_195 = arith.constant 5 : i32
        %add3A_196 = arith.addi %sub3A_160, %add3A_195 : i32
        %dma_start3A_197 = arith.constant 0 : i32
        %dma_start3A_198 = tpu.memref_slice %arg5[%add3A_196, %dma_start3A_197] : memref<50x128xi32, #tpu.memory_space<vmem>> -> memref<1x128xi32, #tpu.memory_space<vmem>>
        %dma_start3A_199 = tpu.memref_squeeze %dma_start3A_198 : memref<1x128xi32, #tpu.memory_space<vmem>> -> memref<128xi32, #tpu.memory_space<vmem>>
        %dma_start3A_200 = arith.constant 0 : i32
        %dma_start3A_201 = arith.constant 0 : i32
        %dma_start3A_202 = tpu.memref_slice %arg3[%dma_start3A_200, %dma_start3A_201] : memref<100000x128xf32, #tpu.memory_space<hbm>> -> memref<100000x128xf32, #tpu.memory_space<hbm>>
        tpu.enqueue_indirect_dma source(%dma_start3A_202 : memref<100000x128xf32, #tpu.memory_space<hbm>>) target(%arg8 : memref<128x128xf32, #tpu.memory_space<vmem>>) offsets(%dma_start3A_199 : memref<128xi32, #tpu.memory_space<vmem>>) semaphore(%arg13 : memref<!tpu.dma_semaphore, #tpu.memory_space<semaphore_mem>>)
      } else {
      }
      %mul3A_166 = arith.constant 5 : i32
      %mul3A_167 = arith.muli %scan3A_78, %mul3A_166 : i32
      %add3A_168 = arith.constant 4 : i32
      %add3A_169 = arith.addi %mul3A_167, %add3A_168 : i32
      %dma_wait3A_170 = arith.constant 0 : i32
      %dma_wait3A_171 = tpu.memref_slice %arg5[%add3A_169, %dma_wait3A_170] : memref<50x128xi32, #tpu.memory_space<vmem>> -> memref<1x128xi32, #tpu.memory_space<vmem>>
      %dma_wait3A_172 = tpu.memref_squeeze %dma_wait3A_171 : memref<1x128xi32, #tpu.memory_space<vmem>> -> memref<128xi32, #tpu.memory_space<vmem>>
      %dma_wait3A_173 = arith.constant 0 : i32
      %dma_wait3A_174 = arith.constant 0 : i32
      %dma_wait3A_175 = tpu.memref_slice %arg3[%dma_wait3A_173, %dma_wait3A_174] : memref<100000x128xf32, #tpu.memory_space<hbm>> -> memref<100000x128xf32, #tpu.memory_space<hbm>>
      tpu.wait_indirect_dma semaphore(%arg15 : memref<!tpu.dma_semaphore, #tpu.memory_space<semaphore_mem>>) src(%dma_wait3A_175 : memref<100000x128xf32, #tpu.memory_space<hbm>>) dst(%arg10 : memref<128x128xf32, #tpu.memory_space<vmem>>)
      %dma_start3A_176 = arith.constant 0 : i32
      %dma_start3A_177 = tpu.memref_slice %arg4[%add3A_169, %mul3A_38, %dma_start3A_176] : memref<50x4096x128xf32, #tpu.memory_space<hbm>> -> memref<1x128x128xf32, #tpu.memory_space<hbm>>
      %dma_start3A_178 = tpu.memref_squeeze %dma_start3A_177 : memref<1x128x128xf32, #tpu.memory_space<hbm>> -> memref<128x128xf32, #tpu.memory_space<hbm>>
      %dma_start3A_179 = arith.constant 0 : i32
      %dma_start3A_180 = tpu.memref_slice %arg4[%add3A_169, %mul3A_38, %dma_start3A_179] : memref<50x4096x128xf32, #tpu.memory_space<hbm>> -> memref<1x128x128xf32, #tpu.memory_space<hbm>>
      %dma_start3A_181 = tpu.memref_squeeze %dma_start3A_180 : memref<1x128x128xf32, #tpu.memory_space<hbm>> -> memref<128x128xf32, #tpu.memory_space<hbm>>
      tpu.enqueue_dma source(%arg10 : memref<128x128xf32, #tpu.memory_space<vmem>>) target(%dma_start3A_181 : memref<128x128xf32, #tpu.memory_space<hbm>>) target_semaphore(%arg20 : memref<!tpu.dma_semaphore, #tpu.memory_space<semaphore_mem>>)
      %sub3A_182 = arith.constant 1 : i32
      %sub3A_183 = arith.subi %add3A_169, %sub3A_182 : i32
      %le3A_184 = arith.constant 8 : i32
      %le3A_185 = arith.cmpi sle, %scan3A_78, %le3A_184 : i32
      %convert_element_type3A_186 = arith.extui %le3A_185 : i1 to i32
      %cond3A_187 = arith.constant 0 : i32
      %cond3A_188 = arith.cmpi ne, %convert_element_type3A_186, %cond3A_187 : i32
      scf.if %cond3A_188 {
        %dma_wait3A_189 = arith.constant 0 : i32
        %dma_wait3A_190 = tpu.memref_slice %arg4[%sub3A_183, %mul3A_38, %dma_wait3A_189] : memref<50x4096x128xf32, #tpu.memory_space<hbm>> -> memref<1x128x128xf32, #tpu.memory_space<hbm>>
        %dma_wait3A_191 = tpu.memref_squeeze %dma_wait3A_190 : memref<1x128x128xf32, #tpu.memory_space<hbm>> -> memref<128x128xf32, #tpu.memory_space<hbm>>
        %dma_wait3A_192 = arith.constant 0 : i32
        %dma_wait3A_193 = tpu.memref_slice %arg4[%sub3A_183, %mul3A_38, %dma_wait3A_192] : memref<50x4096x128xf32, #tpu.memory_space<hbm>> -> memref<1x128x128xf32, #tpu.memory_space<hbm>>
        %dma_wait3A_194 = tpu.memref_squeeze %dma_wait3A_193 : memref<1x128x128xf32, #tpu.memory_space<hbm>> -> memref<128x128xf32, #tpu.memory_space<hbm>>
        tpu.wait_dma2 semaphore(%arg19 : memref<!tpu.dma_semaphore, #tpu.memory_space<semaphore_mem>>) src(%arg9 : memref<128x128xf32, #tpu.memory_space<vmem>>) dst(%dma_wait3A_194 : memref<128x128xf32, #tpu.memory_space<hbm>>)
        %add3A_195 = arith.constant 5 : i32
        %add3A_196 = arith.addi %sub3A_183, %add3A_195 : i32
        %dma_start3A_197 = arith.constant 0 : i32
        %dma_start3A_198 = tpu.memref_slice %arg5[%add3A_196, %dma_start3A_197] : memref<50x128xi32, #tpu.memory_space<vmem>> -> memref<1x128xi32, #tpu.memory_space<vmem>>
        %dma_start3A_199 = tpu.memref_squeeze %dma_start3A_198 : memref<1x128xi32, #tpu.memory_space<vmem>> -> memref<128xi32, #tpu.memory_space<vmem>>
        %dma_start3A_200 = arith.constant 0 : i32
        %dma_start3A_201 = arith.constant 0 : i32
        %dma_start3A_202 = tpu.memref_slice %arg3[%dma_start3A_200, %dma_start3A_201] : memref<100000x128xf32, #tpu.memory_space<hbm>> -> memref<100000x128xf32, #tpu.memory_space<hbm>>
        tpu.enqueue_indirect_dma source(%dma_start3A_202 : memref<100000x128xf32, #tpu.memory_space<hbm>>) target(%arg9 : memref<128x128xf32, #tpu.memory_space<vmem>>) offsets(%dma_start3A_199 : memref<128xi32, #tpu.memory_space<vmem>>) semaphore(%arg14 : memref<!tpu.dma_semaphore, #tpu.memory_space<semaphore_mem>>)
      } else {
      }
    }
    %scan3A_43 = arith.constant 10 : i32
    %dma_wait3A = arith.constant 45 : i32
    %dma_wait3A_44 = arith.constant 0 : i32
    %dma_wait3A_45 = tpu.memref_slice %arg4[%dma_wait3A, %mul3A_38, %dma_wait3A_44] : memref<50x4096x128xf32, #tpu.memory_space<hbm>> -> memref<1x128x128xf32, #tpu.memory_space<hbm>>
    %dma_wait3A_46 = tpu.memref_squeeze %dma_wait3A_45 : memref<1x128x128xf32, #tpu.memory_space<hbm>> -> memref<128x128xf32, #tpu.memory_space<hbm>>
    %dma_wait3A_47 = arith.constant 0 : i32
    %dma_wait3A_48 = tpu.memref_slice %arg4[%dma_wait3A, %mul3A_38, %dma_wait3A_47] : memref<50x4096x128xf32, #tpu.memory_space<hbm>> -> memref<1x128x128xf32, #tpu.memory_space<hbm>>
    %dma_wait3A_49 = tpu.memref_squeeze %dma_wait3A_48 : memref<1x128x128xf32, #tpu.memory_space<hbm>> -> memref<128x128xf32, #tpu.memory_space<hbm>>
    tpu.wait_dma2 semaphore(%arg16 : memref<!tpu.dma_semaphore, #tpu.memory_space<semaphore_mem>>) src(%arg6 : memref<128x128xf32, #tpu.memory_space<vmem>>) dst(%dma_wait3A_49 : memref<128x128xf32, #tpu.memory_space<hbm>>)
    %dma_wait3A_50 = arith.constant 46 : i32
    %dma_wait3A_51 = arith.constant 0 : i32
    %dma_wait3A_52 = tpu.memref_slice %arg4[%dma_wait3A_50, %mul3A_38, %dma_wait3A_51] : memref<50x4096x128xf32, #tpu.memory_space<hbm>> -> memref<1x128x128xf32, #tpu.memory_space<hbm>>
    %dma_wait3A_53 = tpu.memref_squeeze %dma_wait3A_52 : memref<1x128x128xf32, #tpu.memory_space<hbm>> -> memref<128x128xf32, #tpu.memory_space<hbm>>
    %dma_wait3A_54 = arith.constant 0 : i32
    %dma_wait3A_55 = tpu.memref_slice %arg4[%dma_wait3A_50, %mul3A_38, %dma_wait3A_54] : memref<50x4096x128xf32, #tpu.memory_space<hbm>> -> memref<1x128x128xf32, #tpu.memory_space<hbm>>
    %dma_wait3A_56 = tpu.memref_squeeze %dma_wait3A_55 : memref<1x128x128xf32, #tpu.memory_space<hbm>> -> memref<128x128xf32, #tpu.memory_space<hbm>>
    tpu.wait_dma2 semaphore(%arg17 : memref<!tpu.dma_semaphore, #tpu.memory_space<semaphore_mem>>) src(%arg7 : memref<128x128xf32, #tpu.memory_space<vmem>>) dst(%dma_wait3A_56 : memref<128x128xf32, #tpu.memory_space<hbm>>)
    %dma_wait3A_57 = arith.constant 47 : i32
    %dma_wait3A_58 = arith.constant 0 : i32
    %dma_wait3A_59 = tpu.memref_slice %arg4[%dma_wait3A_57, %mul3A_38, %dma_wait3A_58] : memref<50x4096x128xf32, #tpu.memory_space<hbm>> -> memref<1x128x128xf32, #tpu.memory_space<hbm>>
    %dma_wait3A_60 = tpu.memref_squeeze %dma_wait3A_59 : memref<1x128x128xf32, #tpu.memory_space<hbm>> -> memref<128x128xf32, #tpu.memory_space<hbm>>
    %dma_wait3A_61 = arith.constant 0 : i32
    %dma_wait3A_62 = tpu.memref_slice %arg4[%dma_wait3A_57, %mul3A_38, %dma_wait3A_61] : memref<50x4096x128xf32, #tpu.memory_space<hbm>> -> memref<1x128x128xf32, #tpu.memory_space<hbm>>
    %dma_wait3A_63 = tpu.memref_squeeze %dma_wait3A_62 : memref<1x128x128xf32, #tpu.memory_space<hbm>> -> memref<128x128xf32, #tpu.memory_space<hbm>>
    tpu.wait_dma2 semaphore(%arg18 : memref<!tpu.dma_semaphore, #tpu.memory_space<semaphore_mem>>) src(%arg8 : memref<128x128xf32, #tpu.memory_space<vmem>>) dst(%dma_wait3A_63 : memref<128x128xf32, #tpu.memory_space<hbm>>)
    %dma_wait3A_64 = arith.constant 48 : i32
    %dma_wait3A_65 = arith.constant 0 : i32
    %dma_wait3A_66 = tpu.memref_slice %arg4[%dma_wait3A_64, %mul3A_38, %dma_wait3A_65] : memref<50x4096x128xf32, #tpu.memory_space<hbm>> -> memref<1x128x128xf32, #tpu.memory_space<hbm>>
    %dma_wait3A_67 = tpu.memref_squeeze %dma_wait3A_66 : memref<1x128x128xf32, #tpu.memory_space<hbm>> -> memref<128x128xf32, #tpu.memory_space<hbm>>
    %dma_wait3A_68 = arith.constant 0 : i32
    %dma_wait3A_69 = tpu.memref_slice %arg4[%dma_wait3A_64, %mul3A_38, %dma_wait3A_68] : memref<50x4096x128xf32, #tpu.memory_space<hbm>> -> memref<1x128x128xf32, #tpu.memory_space<hbm>>
    %dma_wait3A_70 = tpu.memref_squeeze %dma_wait3A_69 : memref<1x128x128xf32, #tpu.memory_space<hbm>> -> memref<128x128xf32, #tpu.memory_space<hbm>>
    tpu.wait_dma2 semaphore(%arg19 : memref<!tpu.dma_semaphore, #tpu.memory_space<semaphore_mem>>) src(%arg9 : memref<128x128xf32, #tpu.memory_space<vmem>>) dst(%dma_wait3A_70 : memref<128x128xf32, #tpu.memory_space<hbm>>)
    %dma_wait3A_71 = arith.constant 49 : i32
    %dma_wait3A_72 = arith.constant 0 : i32
    %dma_wait3A_73 = tpu.memref_slice %arg4[%dma_wait3A_71, %mul3A_38, %dma_wait3A_72] : memref<50x4096x128xf32, #tpu.memory_space<hbm>> -> memref<1x128x128xf32, #tpu.memory_space<hbm>>
    %dma_wait3A_74 = tpu.memref_squeeze %dma_wait3A_73 : memref<1x128x128xf32, #tpu.memory_space<hbm>> -> memref<128x128xf32, #tpu.memory_space<hbm>>
    %dma_wait3A_75 = arith.constant 0 : i32
    %dma_wait3A_76 = tpu.memref_slice %arg4[%dma_wait3A_71, %mul3A_38, %dma_wait3A_75] : memref<50x4096x128xf32, #tpu.memory_space<hbm>> -> memref<1x128x128xf32, #tpu.memory_space<hbm>>
    %dma_wait3A_77 = tpu.memref_squeeze %dma_wait3A_76 : memref<1x128x128xf32, #tpu.memory_space<hbm>> -> memref<128x128xf32, #tpu.memory_space<hbm>>
    tpu.wait_dma2 semaphore(%arg20 : memref<!tpu.dma_semaphore, #tpu.memory_space<semaphore_mem>>) src(%arg10 : memref<128x128xf32, #tpu.memory_space<vmem>>) dst(%dma_wait3A_77 : memref<128x128xf32, #tpu.memory_space<hbm>>)
    return
  }
}

</mosaic_0001>

<sc_bundles>
// kernel: kernel.3.cloned.1.call-start
scs
__scs_entry_jumppad:
0x0: {  	(pc) =	sbr.rel $0x88, $3  }
0x1: {  	(tag) =	ssettag $0x0;
	lr =	simm.s32 $0x1  }
0x2: {  	[smem:$0x3F9F] =	sst lr;
	_ =	strace $0xD0000000  }
0x3: {  	_ = 	snop  }
0x4: {  	_ = 	snop  }
0x5: {  	_ = 	snop  }
0x6: {  	_ = 	snop  }
0x7: {  	_ = 	snop  }
__scs_overlays_trampoline_lowered:
0x8: {  	[smem:$0x3FAE] =	sst s0  }
0x9: {  	[smem:$0x3FAF] =	sst s1  }
0xa: {  	[smem:$0x3FB0] =	sst s2  }
0xb: {  	[smem:$0x3FB1] =	sst s3  }
0xc: {  	[smem:$0x3FB2] =	sst s4  }
0xd: {  	[smem:$0x3FB3] =	sst s5  }
0xe: {  	[smem:$0x3FB4] =	sst s6  }
0xf: {  	[smem:$0x3FB5] =	sst s7  }
0x10: {  	[smem:$0x3FB6] =	sst s8  }
0x11: {  	[smem:$0x3FB7] =	sst s9;
	s0 =	simm.s32 @!p0 $0x0  }
0x12: {  	s1 =	sld [smem:$0x3F9D];
	s0 =	simm.s32 @p0 $0x1  }
0x13: {  	[smem:$0x3FB8] =	sst s0;
	s0 =	simm.s32 @!p1 $0x0  }
0x14: {  	s2 =	sld [smem:$0x3F9C];
	s0 =	simm.s32 @p1 $0x1  }
0x15: {  	[smem:$0x3FB9] =	sst s0;
	s0 =	simm.s32 @!p2 $0x0  }
0x16: {  	s3 =	sld [smem:$0x3FDB];
	s0 =	simm.s32 @p2 $0x1  }
0x17: {  	s4 =	simm.s32 $0x1BF5;
	[smem:$0x3FBB] =	sst s0  }
0x18: {  	s0 =	sld [smem:$0x3F9E];
	_ =	swait.ge [sflag:s4], $0x0  }
0x19: {  	s7 =	sld [smem:$0x3F9F]  }
0x1a: {  	s8 =	sadd.s32 $0xFFFFE003, lr  }
0x1b: {  	s9 =	sadd.s32 $0xFFFFFEF7, lr;
	s5 =	simm.s32 $0xFFFFFFFF;
	p2 =	slt.u32 s8, $0xFFFFF086  }
0x1c: {  	p1 =	slt.u32 s9, $0xF7A;
	s5 =	simm.s32 @!p2 $0x0  }
0x1d: {  	s5 =	simm.s32 @p1 $0x1;
	p0 =	seq.s32 s7, s2  }
0x1e: {  	s7 =	smul.u32 @!p0 $0xF7A, s2;
	p2 =	seq.s32 @!p0 s5, $0x0  }
0x1f: {  	s9 =	smul.u32 $0xF7A, s1;
	s8 =	simm.s32 @!p0 $0x1BF5;
	p2 =	por !p2, p0  }
0x20: {  	[sflag:s8] =	ssyncset.s32 @!p0 $0xFFFFF086;
	s6 =	sadd.s32 @!p0 s3, s7;
	s7 =	simm.s32 @!p0 $0x108  }
0x21: {  	s3 =	sadd.s32 s3, s9;
	s6 =	sadd.s32 @!p0 $0x88, s6;
	s7 =	simm.s32 @p2 $0x1082  }
0x22: {  	[simem:s7], [sflag:s8] =	dma.local @!p0 [hbm:s6], $0xF7A  }
0x23: {  	s9 =	sor.u32 $0xD0000000, s2;
	s6 =	simm.s32 $0x108;
	_ =	swait.ge @!p0 [sflag:s8], $0x0  }
0x24: {  	s3 =	sadd.s32 $0x88, s3;
	s6 =	simm.s32 @!p1 $0x1082;
	[sflag:s4] =	ssyncset.s32 $0xFFFFF086  }
0x25: {  	[simem:s6], [sflag:s4] =	dma.local [hbm:s3], $0xF7A  }
0x26: {  	[smem:$0x3F9F] =	sst s1;
	(tag) =	ssettag s2;
	_ =	strace s9  }
0x27: {  	s1 =	sld [smem:$0x3FAF]  }
0x28: {  	s2 =	sld [smem:$0x3FB0]  }
0x29: {  	s4 =	sld [smem:$0x3FB2]  }
0x2a: {  	p0 =	seq.s32 s5, $0x0;
	s5 =	sld [smem:$0x3FB3]  }
0x2b: {  	s6 =	sld [smem:$0x3FB4]  }
0x2c: {  	s7 =	sld [smem:$0x3FB5]  }
0x2d: {  	s3 =	simm.s32 $0x108;
	s8 =	sld [smem:$0x3FB6]  }
0x2e: {  	s3 =	simm.s32 @!p0 $0x1082;
	s9 =	sld [smem:$0x3FB7]  }
0x2f: {  	lr =	sadd.s32 s0, s3;
	s0 =	sld [smem:$0x3FAE]  }
0x30: {  	s3 =	sld [smem:$0x3FB1]  }
0x31: {  	[smem:$0x3FBA] =	sst s10  }
0x32: {  	s10 =	sld [smem:$0x3FB8];
	_ =	sdelay $0x3  }
0x33: {  	p0 =	seq.s32 s10, $0x1;
	s10 =	sld [smem:$0x3FBA];
	_ =	sdelay $0x3  }
0x34: {  	[smem:$0x3FBA] =	sst s10  }
0x35: {  	s10 =	sld [smem:$0x3FB9];
	_ =	sdelay $0x3  }
0x36: {  	p1 =	seq.s32 s10, $0x1;
	s10 =	sld [smem:$0x3FBA];
	_ =	sdelay $0x3  }
0x37: {  	[smem:$0x3FBA] =	sst s10  }
0x38: {  	s10 =	sld [smem:$0x3FBB]  }
0x39: {  	_ = 	snop;
	(pc) =	sbr.ind lr, $3  }
0x3a: {  	_ = 	snop  }
0x3b: {  	_ = 	snop  }
0x3c: {  	p2 =	seq.s32 s10, $0x1;
	s10 =	sld [smem:$0x3FBA]  }
0x3d: {  	_ =	shalt  }
0x3e: {  	_ =	shalt  }
0x3f: {  	_ =	shalt  }
0x40: {  	_ =	shalt  }
0x41: {  	_ =	shalt  }
0x42: {  	_ =	shalt  }
0x43: {  	_ =	shalt  }
0x44: {  	_ =	shalt  }
0x45: {  	_ =	shalt  }
0x46: {  	_ =	shalt  }
0x47: {  	_ =	shalt  }
0x48: {  	_ =	shalt  }
0x49: {  	_ =	shalt  }
0x4a: {  	_ =	shalt  }
0x4b: {  	_ =	shalt  }
0x4c: {  	_ =	shalt  }
0x4d: {  	_ =	shalt  }
0x4e: {  	_ =	shalt  }
0x4f: {  	_ =	shalt  }
0x50: {  	_ =	shalt  }
0x51: {  	_ =	shalt  }
0x52: {  	_ =	shalt  }
0x53: {  	_ =	shalt  }
0x54: {  	_ =	shalt  }
0x55: {  	_ =	shalt  }
0x56: {  	_ =	shalt  }
0x57: {  	_ =	shalt  }
0x58: {  	_ =	shalt  }
0x59: {  	_ =	shalt  }
0x5a: {  	_ =	shalt  }
0x5b: {  	_ =	shalt  }
0x5c: {  	_ =	shalt  }
0x5d: {  	_ =	shalt  }
0x5e: {  	_ =	shalt  }
0x5f: {  	_ =	shalt  }
0x60: {  	_ =	shalt  }
0x61: {  	_ =	shalt  }
0x62: {  	_ =	shalt  }
0x63: {  	_ =	shalt  }
0x64: {  	_ =	shalt  }
0x65: {  	_ =	shalt  }
0x66: {  	_ =	shalt  }
0x67: {  	_ =	shalt  }
0x68: {  	_ =	shalt  }
0x69: {  	_ =	shalt  }
0x6a: {  	_ =	shalt  }
0x6b: {  	_ =	shalt  }
0x6c: {  	_ =	shalt  }
0x6d: {  	_ =	shalt  }
0x6e: {  	_ =	shalt  }
0x6f: {  	_ =	shalt  }
0x70: {  	_ =	shalt  }
0x71: {  	_ =	shalt  }
0x72: {  	_ =	shalt  }
0x73: {  	_ =	shalt  }
0x74: {  	_ =	shalt  }
0x75: {  	_ =	shalt  }
0x76: {  	_ =	shalt  }
0x77: {  	_ =	shalt  }
0x78: {  	_ =	shalt  }
0x79: {  	_ =	shalt  }
0x7a: {  	_ =	shalt  }
0x7b: {  	_ =	shalt  }
0x7c: {  	_ =	shalt  }
0x7d: {  	_ =	shalt  }
0x7e: {  	_ =	shalt  }
0x7f: {  	_ =	shalt  }
0x80: {  	_ =	shalt  }
0x81: {  	_ =	shalt  }
0x82: {  	_ =	shalt  }
0x83: {  	_ =	shalt  }
0x84: {  	_ =	shalt  }
0x85: {  	_ =	shalt  }
0x86: {  	_ =	shalt  }
0x87: {  	_ =	shalt  }
.Lfunc_end0:
.L_simem_size_0:
called_computation_lowered:
.L_overlay_start_0:
0x88: {  	s2 =	sld [smem:$0x3FD9]  }
0x89: {  	s3 =	sld [smem:$0x3FFE];
	_ =	sdelay $0x1  }
0x8a: {  	s1 =	srdreg.scid  }
0x8b: {  	s0 =	sand.u32 $0x1, s1  }
0x8c: {  	s18 =	sshll.u32 s0, $0xA;
	s2 =	sadd.s32 s3, s2  }
0x8d: {  	s2 =	sadd.s32 s2, s18  }
0x8e: {  	[smem:$0x3FC6] =	sst s2  }
0x8f: {  	_ = 	snop  }
0x90: {  	s2 =	sld [smem:$0x3FC9]  }
0x91: {  	s19 =	sld [smem:$0x3FC8]  }
0x92: {  	s4 =	sld [smem:$0x3FD0];
	(tm) =	ssettm $0x1  }
0x93: {  	s5 =	sld [smem:$0x3FFB];
	_ =	sdelay $0x3  }
0x94: {  	_ =	strace s5  }
0x95: {  	s5 =	sld [smem:$0x3FFC];
	_ =	sdelay $0x3  }
0x96: {  	_ =	strace s5  }
0x97: {  	s5 =	sld [smem:$0x3FFD];
	_ =	sdelay $0x3  }
0x98: {  	_ =	strace s5  }
0x99: {  	_ =	strace $0x8FFFFFFF  }
0x9a: {  	s20 =	sld [smem:$0x3FDB];
	_ =	sdelay $0x1  }
0x9b: {  	s6 =	simm.s32 $_scs_section_size  }
0x9c: {  	s7 =	simm.s32 $_size__tile_overlayer_lowered;
	s8 =	simm.s32 $_tile_overlayer_lowered  }
0x9d: {  	s23 =	simm.s32 $0x1BFF;
	s22 =	sshll.u32 s8, $0x1;
	s5 =	sadd.s32 s6, s20  }
0x9e: {  	s9 =	simm.s32 $0x0;
	s21 =	sshll.u32 s7, $0x1;
	s7 =	sadd.s32 s22, s5  }
0x9f: {  	[timem:s9], [sflag:s23] =	dma.local [hbm:s7], s21  }
0xa0: {  	_ =	swait.ge [sflag:s23], s21  }
0xa1: {  	s6 =	ssub.s32 $0x0, s21;
	[sflag:s23] =	ssyncset.done $0x0  }
0xa2: {  	[sflag:s23] =	ssyncadd.s32 s6;
	_ =	sdelay $0x1  }
0xa3: {  	s24 =	simm.s32 $0x1B8B  }
0xa4: {  	_ =	swait.ge [sflag:s24], $0x1  }
0xa5: {  	[sflag:s24] =	ssyncset.done $0x0  }
0xa6: {  	s25 =	simm.s32 $0x1B8E;
	[sflag:s24] =	ssyncadd.s32 $0xFFFFFFFF  }
0xa7: {  	s26 =	simm.s32 $execute0_lowered;
	[smem:$0x3FD2] =	sst s25  }
0xa8: {  	s6 =	sshll.u32 s26, $0x1;
	_ =	strace $0x80000046;
	[dreg:$0x1] =	wrdreg $0xFFFFFFFF  }
0xa9: {  	s28 =	simm.s32 $_size_execute0_lowered;
	s5 =	sadd.s32 s5, s6;
	[dreg:$0x0] =	wrdreg $0x0  }
0xaa: {  	s6 =	sshll.u32 s28, $0x1;
	[dreg:$0x2] =	wrdreg s5  }
0xab: {  	[dreg:$0x3] =	wrdreg s6  }
0xac: {  	[dreg:$0x4] =	wrdreg $0xC0  }
0xad: {  	_ =	task [dreg:s9], $0x5FFFF  }
0xae: {  	[dreg:$0x1] =	wrdreg $0xFFFFFFFF  }
0xaf: {  	[dreg:$0x0] =	wrdreg $0x60  }
0xb0: {  	[dreg:$0x2] =	wrdreg s2  }
0xb1: {  	[dreg:$0x3] =	wrdreg s19  }
0xb2: {  	[dreg:$0x4] =	wrdreg s4  }
0xb3: {  	[dreg:$0x5] =	wrdreg $0x9  }
0xb4: {  	_ =	task.clear_ibuf [dreg:s9], $0x6FFFF;
	_ =	strace $0x90000046  }
0xb5: {  	s29 =	simm.s32 $0x9;
	_ =	strace $0x80000048  }
0xb6: {  	_ =	swait.ge [sflag:s29], $0x1  }
0xb7: {  	[sflag:s29] =	ssyncadd.s32 $0xFFFFFFFF  }
0xb8: {  	_ =	strace $0x90000048  }
0xb9: {  	_ =	sfence  }
0xba: {  	s30 =	sld [smem:$0x0];
	_ =	sdelay $0x2  }
0xbb: {  	s31 =	sshll.u32 s1, $0xD;
	s1 =	sshrl.u32 s1, $0x2  }
0xbc: {  	s3 =	sand.u32 $0x4000, s31;
	s1 =	sadd.s32 s1, s30  }
0xbd: {  	s0 =	sor.u32 s3, s0;
	s1 =	sshll.u32 s1, $0x11  }
0xbe: {  	s0 =	sor.u32 s1, s0  }
0xbf: {  	s0 =	sadd.s32 $0x8F2B, s0  }
0xc0: {  	[sflag:s0] =	ssyncadd.remote.s32 $0x1  }
0xc1: {  	_ =	sfence.sel $0xFFFF  }
0xc2: {  	[dreg:$0x0] =	wrdreg $0xFFFFFFFF;
	(pc) =	sbr.abs _section_cstart, $3  }
0xc3: {  	[dreg:$0x1] =	wrdreg $0xFFFFFFFF  }
0xc4: {  	_ =	task.clear_ibuf [dreg:s9], $0x2FFFF;
	_ =	strace $0x9FFFFFFF  }
0xc5: {  	(tm) =	ssettm $0x7FFFFFFF  }
tec
execute0_lowered:
.L_overlay_start_1:
0x0: {  	(tag) =	ssettag $0x1  }
0x1: {  	s0 =	rddreg [dreg:$0x0]  }
0x2: {  	s1 =	rddreg [dreg:$0x1]  }
0x3: {  	s3 =	rddreg [dreg:$0x2];
	s4 =	srdreg.scid;
	s2 =	simm.s32 $0x0  }
0x4: {  	s8 =	stileid.u32;
	s28 =	simm.s32 $0x1;
	s29 =	simm.s32 $0x2  }
0x5: {  	s30 =	simm.s32 $0x4;
	s31 =	simm.s32 $0x5;
	s14 =	simm.s32 $0x8  }
0x6: {  	s4 =	sand.u32 $0x1, s4;
	[smem:$0x7FF] =	sst s2;
	s15 =	sshll.u32 s8, $0x8  }
0x7: {  	s16 =	sshll.u32 s8, $0xF;
	s5 =	ssub.s32 $0x2, s4;
	_ =	strace $0x80000047  }
0x8: {  	s7 =	sshll.u32 s4, $0x7;
	s4 =	sshll.u32 s4, $0xE;
	s6 =	sshrl.u32 s5, $0x1  }
0x9: {  	s8 =	sor.u32 s4, s16;
	s16 =	simm.s32 $0xA;
	s5 =	ssub.s32 s5, s6  }
0xa: {  	s6 =	sor.u32 s7, s15;
	s19 =	sor.u32 $0x200000, s8;
	s21 =	sor.u32 $0x180000, s8  }
0xb: {  	s22 =	sor.u32 $0x100000, s8;
	s23 =	sor.u32 $0x80000, s8;
	s26 =	sshrl.u32 s8, $0x3  }
0xc: {  	s15 =	simm.s32 $0x9;
	s9 =	sadd.s32 s0, s6;
	s17 =	sshll.u32 s6, $0x4  }
0xd: {  	s5 =	smax.u32 s5, $0x1;
	s4 =	sshrl.u32 s19, $0x3;
	s24 =	sshrl.u32 s22, $0x3  }
0xe: {  	s19 =	simm.s32 $0x1C00;
	s22 =	simm.s32 $0x9C00;
	[dreg:$0x4] =	wrdreg s9  }
0xf: {  	s18 =	sadd.s32 $0x6000, s9;
	s0 =	sadd.s32 s17, s3;
	[dreg:$0x6] =	wrdreg s5  }
0x10: {  	s20 =	sadd.s32 s4, s3;
	s9 =	sshrl.u32 s23, $0x3;
	s23 =	sadd.s32 s26, s3  }
0x11: {  	s17 =	simm.s32 $0xB;
	s26 =	simm.s32 $0x11C00;
	[dreg:$0x5] =	wrdreg s18  }
0x12: {  	s7 =	sadd.s32 $0x2F0000, s0;
	s0 =	sadd.s32 $0x310000, s0;
	[dreg:$0x8] =	wrdreg s20  }
.Ltmp0:
0x13: {  	s25 =	sadd.s32 s9, s3;
	s18 =	simm.s32 $0x80;
	(pc) =	sbr.rel .LBB2_1-.Ltmp0, $4  }
0x14: {  	s20 =	simm.s32 $0x5C00;
	[dreg:$0x7] =	wrdreg s0;
	s0 =	sshrl.u32 s21, $0x3  }
0x15: {  	[dreg:$0xb] =	wrdreg s25;
	s21 =	simm.s32 $0x0;
	s0 =	sadd.s32 s0, s3  }
0x16: {  	[dreg:$0x9] =	wrdreg s0;
	s0 =	sadd.s32 s24, s3;
	s24 =	simm.s32 $0xDC00  }
0x17: {  	s3 =	simm.s32 $0x7;
	[dreg:$0xa] =	wrdreg s0;
	s0 =	simm.s32 $0x6  }
.LBB2_4:
0x18: {  	_ =	swait.ge [sflag:s31], $0x4000  }
0x19: {  	[sflag:s31] =	ssyncset.done $0x0  }
0x1a: {  	s4 =	rddreg [dreg:$0x7];
	[sflag:s31] =	ssyncadd.s32 $0xFFFFC000  }
0x1b: {  	[hbm4b:s4+s2] =	stream.linear.scatter [tilespmem:s26], [sflag:$0xA], $0x4000, $0x38;
	[tilespmem:$0x15C00] =	vst v63  }
0x1c: {  	_ =	swait.ge [sflag:s0], $0x4000  }
0x1d: {  	[sflag:s0] =	ssyncset.done $0x0  }
0x1e: {  	[sflag:s0] =	ssyncadd.s32 $0xFFFFC000  }
0x1f: {  	_ =	swait.ge [sflag:s3], $0x4000  }
0x20: {  	[sflag:s3] =	ssyncset.done $0x0  }
0x21: {  	[sflag:s3] =	ssyncadd.s32 $0xFFFFC000  }
0x22: {  	_ =	swait.ge [sflag:s14], $0x4000  }
0x23: {  	[sflag:s14] =	ssyncset.done $0x0  }
0x24: {  	[sflag:s14] =	ssyncadd.s32 $0xFFFFC000  }
0x25: {  	_ =	swait.ge [sflag:s15], $0x4000  }
0x26: {  	[sflag:s15] =	ssyncset.done $0x0  }
0x27: {  	[sflag:s15] =	ssyncadd.s32 $0xFFFFC000  }
0x28: {  	_ =	swait.ge [sflag:s16], $0x4000  }
0x29: {  	s21 =	sadd.s32 $0x1, s21;
	s25 =	rddreg [dreg:$0x6]  }
0x2a: {  	p0 =	sne.s32 s21, s25  }
.Ltmp1:
0x2b: {  	_ = 	snop;
	(pc) =	sbr.rel @!p0 .LBB2_5-.Ltmp1, $3  }
0x2c: {  	_ =	sdelay $0x1  }
0x2d: {  	[sflag:s16] =	ssyncset.done $0x0  }
0x2e: {  	[sflag:s16] =	ssyncadd.s32 $0xFFFFC000  }
.LBB2_1:
0x2f: {  	s4 =	rddreg [dreg:$0x4];
	s5 =	simm.s32 $0x400;
	s6 =	simm.s32 $0x8000  }
0x30: {  	[tilespmem:s2], [sflag:$0xB] =	stream.strided.gather [hbm4b:s4+s5], $0x1800, s6, s5, $0x38;
	[tilespmem:$0x15C00] =	vst v63  }
0x31: {  	s10 =	rddreg [dreg:$0x5];
	s11 =	simm.s32 $0x1800  }
0x32: {  	[tilespmem:s11], [sflag:$0xB] =	stream.linear.gather [hbm4b:s10+s2], $0x100, $0x38;
	[tilespmem:$0x15C00] =	vst v63  }
0x33: {  	_ =	swait.ge [sflag:s17], $0x1900  }
0x34: {  	[sflag:s17] =	ssyncset.done $0x0  }
0x35: {  	[sflag:s17] =	ssyncadd.s32 $0xFFFFE700  }
0x36: {  	[tilespmem:s19], [sflag:$0x1] =	stream.indirect.gather [hbm4b:s1+s18], $0x80, s2, s18, $0xb8;
	[tilespmem:$0x15C00] =	vst v63  }
0x37: {  	s11 =	rddreg [dreg:$0xa]  }
0x38: {  	[tilespmem:s20], [sflag:$0x2] =	stream.indirect.gather [hbm4b:s1+s18], $0x80, s18, s18, $0xb8;
	[tilespmem:$0x15C00] =	vst v63  }
0x39: {  	s12 =	simm.s32 $0x100;
	s10 =	rddreg [dreg:$0x9]  }
0x3a: {  	[tilespmem:s22], [sflag:$0x3] =	stream.indirect.gather [hbm4b:s1+s18], $0x80, s12, s18, $0xb8;
	[tilespmem:$0x15C00] =	vst v63  }
0x3b: {  	s13 =	simm.s32 $0x180;
	s25 =	simm.s32 $0x200;
	s9 =	rddreg [dreg:$0x8]  }
0x3c: {  	[tilespmem:s24], [sflag:$0x4] =	stream.indirect.gather [hbm4b:s1+s18], $0x80, s13, s18, $0xb8;
	[tilespmem:$0x15C00] =	vst v63  }
0x3d: {  	s8 =	simm.s32 $0x0;
	s12 =	rddreg [dreg:$0xb];
	s13 =	smov.u32 s23  }
0x3e: {  	[tilespmem:s26], [sflag:$0x5] =	stream.indirect.gather [hbm4b:s1+s18], $0x80, s25, s18, $0xb8;
	[tilespmem:$0x15C00] =	vst v63  }
.LBB2_2:
0x3f: {  	_ =	swait.ge [sflag:s28], $0x4000  }
0x40: {  	p0 =	seq.s32 s8, $0x0;
	[sflag:s28] =	ssyncset.done $0x0  }
0x41: {  	s6 =	simm.s32 @!p0 $0xA;
	[sflag:s28] =	ssyncadd.s32 $0xFFFFC000  }
0x42: {  	[hbm4b:s13+s2] =	stream.linear.scatter [tilespmem:s19], [sflag:$0x6], $0x4000, $0x38;
	[tilespmem:$0x15C00] =	vst v63  }
0x43: {  	_ =	swait.ge @!p0 [sflag:s6], $0x4000  }
0x44: {  	[sflag:s6] =	ssyncset.done @!p0 $0x0  }
0x45: {  	[sflag:s6] =	ssyncadd.s32 @!p0 $0xFFFFC000;
	s6 =	sshra.s32 @!p0 s8, $0x2  }
0x46: {  	s4 =	simm.s32 @!p0 $0x80;
	s5 =	simm.s32 @!p0 $0x11C00;
	s6 =	sadd.s32 @!p0 $0x200, s6  }
0x47: {  	[tilespmem:s5], [sflag:$0x5] =	stream.indirect.gather @!p0 [hbm4b:s1+s4], $0x80, s6, s4, $0xb8;
	[tilespmem:$0x15C00] =	vst v63  }
0x48: {  	_ =	swait.ge [sflag:s29], $0x4000  }
0x49: {  	p0 =	seq.s32 s8, $0x5A00;
	[sflag:s29] =	ssyncset.done $0x0  }
0x4a: {  	s4 =	simm.s32 @p0 $0x3;
	[sflag:s29] =	ssyncadd.s32 $0xFFFFC000  }
0x4b: {  	[hbm4b:s12+s2] =	stream.linear.scatter [tilespmem:s20], [sflag:$0x7], $0x4000, $0x38;
	[tilespmem:$0x15C00] =	vst v63  }
0x4c: {  	_ =	swait.ge @p0 [sflag:s4], $0x4000  }
0x4d: {  	[sflag:s4] =	ssyncset.done @p0 $0x0  }
0x4e: {  	s5 =	simm.s32 @p0 $0x9C00;
	[sflag:s4] =	ssyncadd.s32 @p0 $0xFFFFC000;
	s4 =	simm.s32 @p0 $0x0  }
0x4f: {  	[hbm4b:s7+s4] =	stream.linear.scatter @p0 [tilespmem:s5], [sflag:$0x8], $0x4000, $0x38;
	[tilespmem:$0x15C00] =	vst v63  }
0x50: {  	s4 =	simm.s32 @!p0 $0x6  }
0x51: {  	_ =	swait.ge @!p0 [sflag:s4], $0x4000  }
0x52: {  	[sflag:s4] =	ssyncset.done @!p0 $0x0  }
0x53: {  	[sflag:s4] =	ssyncadd.s32 @!p0 $0xFFFFC000;
	s4 =	sshra.s32 @!p0 s8, $0x2  }
0x54: {  	s6 =	simm.s32 @!p0 $0x80;
	s25 =	simm.s32 @!p0 $0x1C00;
	s5 =	sadd.s32 @!p0 $0x280, s4  }
0x55: {  	[tilespmem:s25], [sflag:$0x1] =	stream.indirect.gather @!p0 [hbm4b:s1+s6], $0x80, s5, s6, $0xb8;
	[tilespmem:$0x15C00] =	vst v63  }
0x56: {  	s5 =	simm.s32 @!p0 $0x3  }
0x57: {  	_ =	swait.ge @!p0 [sflag:s5], $0x4000  }
0x58: {  	[sflag:s5] =	ssyncset.done @!p0 $0x0  }
0x59: {  	s25 =	simm.s32 @!p0 $0x9C00;
	[sflag:s5] =	ssyncadd.s32 @!p0 $0xFFFFC000;
	s5 =	simm.s32 @!p0 $0x0  }
0x5a: {  	[hbm4b:s11+s5] =	stream.linear.scatter @!p0 [tilespmem:s25], [sflag:$0x8], $0x4000, $0x38;
	[tilespmem:$0x15C00] =	vst v63  }
0x5b: {  	s5 =	simm.s32 @!p0 $0x7  }
0x5c: {  	_ =	swait.ge @!p0 [sflag:s5], $0x4000  }
0x5d: {  	[sflag:s5] =	ssyncset.done @!p0 $0x0  }
0x5e: {  	s4 =	sadd.s32 @!p0 $0x300, s4;
	[sflag:s5] =	ssyncadd.s32 @!p0 $0xFFFFC000;
	s5 =	simm.s32 @!p0 $0x5C00  }
0x5f: {  	[tilespmem:s5], [sflag:$0x2] =	stream.indirect.gather @!p0 [hbm4b:s1+s6], $0x80, s4, s6, $0xb8;
	[tilespmem:$0x15C00] =	vst v63  }
.Ltmp2:
0x60: {  	_ = 	snop;
	(pc) =	sbr.rel @p0 .LBB2_4-.Ltmp2, $4  }
0x61: {  	_ =	swait.ge [sflag:s30], $0x4000  }
0x62: {  	[sflag:s30] =	ssyncset.done $0x0  }
0x63: {  	[sflag:s30] =	ssyncadd.s32 $0xFFFFC000  }
0x64: {  	[hbm4b:s10+s2] =	stream.linear.scatter [tilespmem:s24], [sflag:$0x9], $0x4000, $0x38;
	[tilespmem:$0x15C00] =	vst v63  }
0x65: {  	_ =	swait.ge [sflag:s14], $0x4000  }
0x66: {  	s4 =	sshra.s32 s8, $0x2;
	[sflag:s14] =	ssyncset.done $0x0  }
0x67: {  	s5 =	sadd.s32 $0x380, s4;
	[sflag:s14] =	ssyncadd.s32 $0xFFFFC000  }
0x68: {  	[tilespmem:s22], [sflag:$0x3] =	stream.indirect.gather [hbm4b:s1+s18], $0x80, s5, s18, $0xb8;
	[tilespmem:$0x15C00] =	vst v63  }
0x69: {  	_ =	swait.ge [sflag:s31], $0x4000  }
0x6a: {  	[sflag:s31] =	ssyncset.done $0x0  }
0x6b: {  	[sflag:s31] =	ssyncadd.s32 $0xFFFFC000  }
0x6c: {  	[hbm4b:s9+s2] =	stream.linear.scatter [tilespmem:s26], [sflag:$0xA], $0x4000, $0x38;
	[tilespmem:$0x15C00] =	vst v63  }
.Ltmp3:
0x6d: {  	s8 =	sadd.s32 $0xA00, s8;
	(pc) =	sbr.rel .LBB2_2-.Ltmp3, $4  }
0x6e: {  	s10 =	sadd.s32 $0x50000, s10;
	s11 =	sadd.s32 $0x50000, s11;
	_ =	swait.ge [sflag:s15], $0x4000  }
0x6f: {  	s12 =	sadd.s32 $0x50000, s12;
	s13 =	sadd.s32 $0x50000, s13;
	[sflag:s15] =	ssyncset.done $0x0  }
0x70: {  	s4 =	sadd.s32 $0x400, s4;
	s9 =	sadd.s32 $0x50000, s9;
	[sflag:s15] =	ssyncadd.s32 $0xFFFFC000  }
0x71: {  	[tilespmem:s24], [sflag:$0x4] =	stream.indirect.gather [hbm4b:s1+s18], $0x80, s4, s18, $0xb8;
	[tilespmem:$0x15C00] =	vst v63  }
.LBB2_5:
0x72: {  	_ =	sfence.sel $0x180000  }
0x73: {  	[bflag:$0x0] =	sbarrier.arrive $0xFFFF  }
0x74: {  	_ =	strace $0x90000047  }
0x75: {  	s0 =	stileid.u32;
	[bflag:$0x2] =	sbarrier.arrive $0xFFFF  }
0x76: {  	p0 =	sne.s32 s0, $0x0;
	s0 =	rddreg [dreg:$0x3]  }
0x77: {  	s0 =	sadd.s32 @!p0 $0x100000, s0  }
0x78: {  	[sflag:s0] =	ssyncadd.tile.s32 @!p0 $0x1;
	_ =	shalt  }
.Lfunc_end2:
_tile_overlayer_lowered:
.L_overlay_start_2:
0x79: {  	(tag) =	ssettag $0x2  }
0x7a: {  	s0 =	rddreg [dreg:$0x0];
	s2 =	stileid.u32  }
0x7b: {  	s1 =	rddreg [dreg:$0x1];
	p0 =	sne.s32 s2, $0x0  }
0x7c: {  	s3 =	rddreg [dreg:$0x2];
	[bflag:$0x3] =	sbarrier.arrive $0xFFFF;
	s2 =	simm.s32 @!p0 $0x1C0B  }
0x7d: {  	[timem:s3], [sflag:s2] =	dma.local @!p0 [hbm:s0], s1  }
0x7e: {  	s0 =	simm.s32 @!p0 $0xB  }
0x7f: {  	_ =	swait.ge @!p0 [sflag:s0], s1  }
0x80: {  	s1 =	ssub.s32 @!p0 $0x0, s1;
	[sflag:s0] =	ssyncset.done @!p0 $0x0  }
0x81: {  	[sflag:s0] =	ssyncadd.s32 @!p0 s1  }
0x82: {  	[bflag:$0x3] =	sbarrier.arrive $0xFFFF  }
0x83: {  	_ =	shalt  }

</sc_bundles>
